<compile_context>
chip_gen: v7x
topology: tpu7x:2x2x1
jax: 0.10.2.dev20260603
libtpu: 0.0.44.dev20260713+nightly
codegen_flags: <defaults>
</compile_context>

<pallas_src>
import jax
import jax.numpy as jnp
from jax.experimental import pallas as pl
from jax.experimental.pallas import tpu as pltpu


_ROWS = 256


def _dist_body(xf_ref, xc_ref, y_ref, y2_ref,
               amin_ref, srf_ref, cmf_ref, src_ref, cmc_ref):
    y = y_ref[0]
    m = y.shape[0]
    y2 = y2_ref[0]

    def one_cloud(x_ref, sr_ref, cm_ref, want_amin):
        x = x_ref[0]
        x2 = jnp.sum(x * x, axis=1, keepdims=True)
        ab = jax.lax.dot_general(x, y, (((1,), (1,)), ((), ())),
                                 preferred_element_type=jnp.float32)
        d = jnp.maximum((x2 + y2) - 2.0 * ab, 0.0)
        rowmin = jnp.min(d, axis=1, keepdims=True)
        if want_amin:
            lane = jax.lax.broadcasted_iota(jnp.int32, d.shape, 1)
            amin_ref[0] = jnp.min(jnp.where(d == rowmin, lane, m), axis=1,
                                  keepdims=True)
        srow = jnp.sum(jnp.sqrt(rowmin))
        sr_ref[...] = srow[None, None, None, None]
        cm_ref[0, 0] = jnp.min(d, axis=0, keepdims=True)

    one_cloud(xf_ref, srf_ref, cmf_ref, True)
    one_cloud(xc_ref, src_ref, cmc_ref, False)


def _triple(f):
    px, py, pz = f[:, 0, :], f[:, 1, :], f[:, 2, :]
    qx = jnp.roll(px, -1, axis=1)
    qy = jnp.roll(py, -1, axis=1)
    qz = jnp.roll(pz, -1, axis=1)
    rx = jnp.roll(px, -2, axis=1)
    ry = jnp.roll(py, -2, axis=1)
    rz = jnp.roll(pz, -2, axis=1)
    return (px * (qy * rz - qz * ry)
            + py * (qz * rx - qx * rz)
            + pz * (qx * ry - qy * rx))


def _loss_body(fT_ref, ntT_ref, srf_ref, cmf_ref, src_ref, cmc_ref,
               cham_ref, sqrefl_ref, fz2_ref, gz2_ref, tf_ref, tg_ref):
    f = fT_ref[...]
    g = ntT_ref[...]
    bn = f.shape[0] * f.shape[2]

    def chamfer(sr_ref, cm_ref):
        colmin = jnp.min(cm_ref[...], axis=1)
        scol = jnp.sum(jnp.sqrt(colmin))
        return (jnp.sum(sr_ref[...]) / bn + scol / bn) / 2.0

    cham = chamfer(srf_ref, cmf_ref) + chamfer(src_ref, cmc_ref)
    cham_ref[...] = cham[None, None]
    def proj(v):
        return v.astype(jnp.bfloat16).astype(jnp.float32)

    fy = proj(f[:, 1, :])
    gy = proj(g[:, 1, :])
    sqrefl_ref[...] = (fy - gy) ** 2
    fz = proj(f[:, 2, :])
    gz = proj(g[:, 2, :])
    fz2_ref[...] = fz * fz
    gz2_ref[...] = gz * gz
    tf_ref[...] = _triple(f)
    tg_ref[...] = _triple(g)


def kernel(source_points, target_points):
    coarse = source_points[0]
    fine = source_points[1]
    B, N, _ = fine.shape
    M = target_points.shape[1]
    R = _ROWS
    T = N // R
    fineT = jnp.swapaxes(fine, 1, 2)

    y2 = jnp.sum(target_points * target_points, axis=-1)[:, None, :]

    pts_spec = pl.BlockSpec((1, R, 3), lambda b, t: (b, t, 0))
    tgt_spec = pl.BlockSpec((1, M, 3), lambda b, t: (b, 0, 0))
    y2_spec = pl.BlockSpec((1, 1, M), lambda b, t: (b, 0, 0))
    amin_spec = pl.BlockSpec((1, R, 1), lambda b, t: (b, t, 0))
    sr_spec = pl.BlockSpec((1, 1, 1, 1), lambda b, t: (b, t, 0, 0))
    cm_spec = pl.BlockSpec((1, 1, 1, M), lambda b, t: (b, t, 0, 0))

    amin, srf, cmf, src, cmc = pl.pallas_call(
        _dist_body,
        grid=(B, T),
        in_specs=[pts_spec, pts_spec, tgt_spec, y2_spec],
        out_specs=[amin_spec, sr_spec, cm_spec, sr_spec, cm_spec],
        out_shape=[
            jax.ShapeDtypeStruct((B, N, 1), jnp.int32),
            jax.ShapeDtypeStruct((B, T, 1, 1), jnp.float32),
            jax.ShapeDtypeStruct((B, T, 1, M), jnp.float32),
            jax.ShapeDtypeStruct((B, T, 1, 1), jnp.float32),
            jax.ShapeDtypeStruct((B, T, 1, M), jnp.float32),
        ],
        compiler_params=pltpu.CompilerParams(
            dimension_semantics=("arbitrary", "arbitrary")),
    )(fine, coarse, target_points, y2)

    nt = jnp.take_along_axis(target_points, amin, axis=1)
    ntT = jnp.swapaxes(nt, 1, 2)

    bn_shape = jax.ShapeDtypeStruct((B, N), jnp.float32)
    cham, sqrefl, fz2, gz2, tf, tg = pl.pallas_call(
        _loss_body,
        in_specs=[pl.BlockSpec(a.shape, lambda n=a.ndim: (0,) * n)
                  for a in (fineT, ntT, srf, cmf, src, cmc)],
        out_specs=[pl.BlockSpec((1, 1), lambda: (0, 0))]
        + [pl.BlockSpec((B, N), lambda: (0, 0))] * 5,
        out_shape=[jax.ShapeDtypeStruct((1, 1), jnp.float32)] + [bn_shape] * 5,
    )(fineT, ntT, srf, cmf, src, cmc)

    in_mag = jnp.sqrt(jnp.sum(fz2, axis=-1))
    re_mag = jnp.sqrt(jnp.sum(gz2, axis=-1))
    loss_rot = jnp.mean((in_mag - re_mag) ** 2)
    loss_refl = jnp.mean(sqrefl)
    vol_f = jnp.sum(tf, axis=1) / 6.0
    vol_g = jnp.sum(tg, axis=1) / 6.0
    loss_geo = jnp.mean((vol_f - vol_g) ** 2)
    return loss_rot + loss_refl + cham[0, 0] + loss_geo

# --- scband reference (transcript-rebuilt; emitter-appended) ---
"""Pipeline reference for scband-symmetry-loss-33208687132876 (READ-ONLY COPY).

The authoritative reference and input builder live on the scoring server;
editing this copy changes nothing except your own understanding.
"""

import jax, jax.numpy as jnp
import numpy as np


def _pairwise_sq(a, b):
    # a: (B,N,3), b: (B,M,3) -> (B,N,M) squared euclidean distances
    a2 = jnp.sum(a * a, axis=-1)[:, :, None]
    b2 = jnp.sum(b * b, axis=-1)[:, None, :]
    ab = jnp.einsum('bnd,bmd->bnm', a, b)
    return jnp.maximum(a2 + b2 - 2.0 * ab, 0.0)


def _chamfer_l1(x, y):
    d = _pairwise_sq(x, y)
    d1 = jnp.sqrt(jnp.min(d, axis=2))
    d2 = jnp.sqrt(jnp.min(d, axis=1))
    return (jnp.mean(d1) + jnp.mean(d2)) / 2.0


def _volume_with_wedge(p):
    # scalar triple product (wedge) over consecutive point triplets, per batch
    p1 = jnp.roll(p, -1, axis=1)
    p2 = jnp.roll(p, -2, axis=1)
    triple = jnp.sum(p * jnp.cross(p1, p2), axis=-1)
    return jnp.sum(triple, axis=1) / 6.0


def setup_inputs(seed: int = 0) -> dict:
    key = jax.random.key(seed)
    k1, k2 = jax.random.split(key)
    source_points = jax.random.normal(k1, (2, 4, 4096, 3), dtype=jnp.float32)
    target_points = jax.random.normal(k2, (4, 4096, 3), dtype=jnp.float32)
    return {"source_points": source_points, "target_points": target_points}


def reference(source_points, target_points):
    lambda_rot = 1.0
    lambda_ref = 1.0
    lambda_align = 1.0
    lambda_geo = 1.0
    coarse = source_points[0]
    fine = source_points[1]
    B = fine.shape[0]
    axis = jnp.tile(jnp.array([[0.0, 0.0, 1.0]], dtype=jnp.float32), (B, 1))
    plane_normal = jnp.tile(jnp.array([[0.0, 1.0, 0.0]], dtype=jnp.float32), (B, 1))
    # knn_points K=1: nearest target index per fine source point
    d = _pairwise_sq(fine, target_points)
    idx = jnp.argmin(d, axis=2)  # (B, N)
    new_target_points = jnp.take_along_axis(target_points, idx[..., None], axis=1)  # (B,N,3)
    # alignment (Chamfer L1) on coarse and fine
    loss_align_coarse = _chamfer_l1(coarse, target_points)
    loss_align_fine = _chamfer_l1(fine, target_points)
    # rotational symmetry loss
    input_proj = jnp.einsum('bij,bj->bi', fine, axis)
    recon_proj = jnp.einsum('bij,bj->bi', new_target_points, axis)
    input_mag = jnp.linalg.norm(input_proj, axis=-1)
    recon_mag = jnp.linalg.norm(recon_proj, axis=-1)
    loss_rot = jnp.mean((input_mag - recon_mag) ** 2)
    # reflectional symmetry loss
    pn = plane_normal / jnp.linalg.norm(plane_normal, axis=-1, keepdims=True)
    input_dist = jnp.einsum('bij,bj->bi', fine, pn)
    recon_dist = jnp.einsum('bij,bj->bi', new_target_points, pn)
    loss_ref = jnp.mean((input_dist - recon_dist) ** 2)
    # geometric consistency loss
    input_volume = _volume_with_wedge(fine)
    recon_volume = _volume_with_wedge(new_target_points)
    loss_geo = jnp.mean((input_volume - recon_volume) ** 2)
    total_loss = (lambda_rot * loss_rot + lambda_ref * loss_ref
                  + lambda_align * loss_align_coarse + lambda_align * loss_align_fine
                  + lambda_geo * loss_geo)
    return total_loss

if __name__ == "__main__":
    import jax
    _d = setup_inputs()
    print(jax.jit(kernel)(*tuple(_d.values())))

</pallas_src>

<mosaic_0001>
module attributes {stable_mosaic.version = 14 : i64} {
  func.func @_dist_body(%arg0: i32, %arg1: i32, %arg2: memref<1x256x3xf32, #tpu.memory_space<vmem>>, %arg3: memref<1x256x3xf32, #tpu.memory_space<vmem>>, %arg4: memref<1x4096x3xf32, #tpu.memory_space<vmem>>, %arg5: memref<1x1x4096xf32, #tpu.memory_space<vmem>>, %arg6: memref<1x256x1xi32, #tpu.memory_space<vmem>>, %arg7: memref<1x1x1x1xf32, #tpu.memory_space<vmem>>, %arg8: memref<1x1x1x4096xf32, #tpu.memory_space<vmem>>, %arg9: memref<1x1x1x1xf32, #tpu.memory_space<vmem>>, %arg10: memref<1x1x1x4096xf32, #tpu.memory_space<vmem>>) attributes {dimension_semantics = [#tpu.dimension_semantics<arbitrary>, #tpu.dimension_semantics<arbitrary>], iteration_bounds = array<i64: 4, 16>, scalar_prefetch = 0 : i64, scratch_operands = 0 : i64, tpu.core_type = #tpu.core_type<tc>, window_params = [{transform_indices = @transform_0, window_bounds = array<i64: 1, 256, 3>}, {transform_indices = @transform_1, window_bounds = array<i64: 1, 256, 3>}, {transform_indices = @transform_2, window_bounds = array<i64: 1, 4096, 3>}, {transform_indices = @transform_3, window_bounds = array<i64: 1, 1, 4096>}, {transform_indices = @transform_4, window_bounds = array<i64: 1, 256, 1>}, {transform_indices = @transform_5, window_bounds = array<i64: 1, 1, 1, 1>}, {transform_indices = @transform_6, window_bounds = array<i64: 1, 1, 1, 4096>}, {transform_indices = @transform_7, window_bounds = array<i64: 1, 1, 1, 1>}, {transform_indices = @transform_8, window_bounds = array<i64: 1, 1, 1, 4096>}]} {
    %get3A = arith.constant 0 : index
    %get3A_0 = arith.constant 0 : index
    %get3A_1 = arith.constant 0 : index
    %get3A_2 = vector.load %arg4[%get3A, %get3A_0, %get3A_1] : memref<1x4096x3xf32, #tpu.memory_space<vmem>>, vector<1x4096x3xf32>
    %get3A_3 = vector.shape_cast %get3A_2 : vector<1x4096x3xf32> to vector<4096x3xf32>
    %get3A_4 = arith.constant 0 : index
    %get3A_5 = arith.constant 0 : index
    %get3A_6 = arith.constant 0 : index
    %get3A_7 = vector.load %arg5[%get3A_4, %get3A_5, %get3A_6] : memref<1x1x4096xf32, #tpu.memory_space<vmem>>, vector<1x1x4096xf32>
    %get3A_8 = vector.shape_cast %get3A_7 : vector<1x1x4096xf32> to vector<1x4096xf32>
    %get3A_9 = arith.constant 0 : index
    %get3A_10 = arith.constant 0 : index
    %get3A_11 = arith.constant 0 : index
    %get3A_12 = vector.load %arg2[%get3A_9, %get3A_10, %get3A_11] : memref<1x256x3xf32, #tpu.memory_space<vmem>>, vector<1x256x3xf32>
    %get3A_13 = vector.shape_cast %get3A_12 : vector<1x256x3xf32> to vector<256x3xf32>
    %mul3A = arith.mulf %get3A_13, %get3A_13 : vector<256x3xf32>
    %reduce_sum3A = arith.constant dense<0.000000e+00> : vector<256xf32>
    %reduce_sum3A_14 = vector.multi_reduction <add>, %mul3A, %reduce_sum3A [1] : vector<256x3xf32> to vector<256xf32>
    %broadcast_in_dim3A = vector.shape_cast %reduce_sum3A_14 : vector<256xf32> to vector<256x1xf32>
    %dot_general3A = arith.constant dense<0.000000e+00> : vector<256x4096xf32>
    %dot_general3A_15 = tpu.matmul %get3A_13, %get3A_3, %dot_general3A {dimension_numbers = #tpu.dot_dimension_numbers<[1], [1], [0], [0], [0, 0, 1, 0], [], []>, transpose_lhs_hint = false} : vector<256x3xf32>, vector<4096x3xf32>, vector<256x4096xf32> -> vector<256x4096xf32>
    %add3A = vector.broadcast %broadcast_in_dim3A : vector<256x1xf32> to vector<256x4096xf32>
    %add3A_16 = vector.broadcast %get3A_8 : vector<1x4096xf32> to vector<256x4096xf32>
    %add3A_17 = arith.addf %add3A, %add3A_16 : vector<256x4096xf32>
    %mul3A_18 = arith.constant 2.000000e+00 : f32
    %mul3A_19 = vector.broadcast %mul3A_18 : f32 to vector<256x4096xf32>
    %mul3A_20 = arith.mulf %mul3A_19, %dot_general3A_15 : vector<256x4096xf32>
    %sub3A = arith.subf %add3A_17, %mul3A_20 : vector<256x4096xf32>
    %max3A = arith.constant 0.000000e+00 : f32
    %max3A_21 = vector.broadcast %max3A : f32 to vector<256x4096xf32>
    %max3A_22 = arith.maximumf %sub3A, %max3A_21 : vector<256x4096xf32>
    %reduce_min3A = arith.constant dense<0x7F800000> : vector<256xf32>
    %reduce_min3A_23 = vector.multi_reduction <minimumf>, %max3A_22, %reduce_min3A [1] : vector<256x4096xf32> to vector<256xf32>
    %broadcast_in_dim3A_24 = vector.shape_cast %reduce_min3A_23 : vector<256xf32> to vector<256x1xf32>
    %iota3A = tpu.iota {dimensions = array<i32: 1>} : vector<256x4096xi32>
    %eq3A = vector.broadcast %broadcast_in_dim3A_24 : vector<256x1xf32> to vector<256x4096xf32>
    %eq3A_25 = arith.cmpf oeq, %max3A_22, %eq3A : vector<256x4096xf32>
    %jit3A = arith.constant 4096 : i32
    %broadcast_in_dim3A_26 = vector.broadcast %jit3A : i32 to vector<256x4096xi32>
    %select_n3A = arith.select %eq3A_25, %iota3A, %broadcast_in_dim3A_26 : vector<256x4096xi1>, vector<256x4096xi32>
    %reduce_min3A_27 = arith.constant dense<2147483647> : vector<256xi32>
    %reduce_min3A_28 = vector.multi_reduction <minsi>, %select_n3A, %reduce_min3A_27 [1] : vector<256x4096xi32> to vector<256xi32>
    %broadcast_in_dim3A_29 = vector.shape_cast %reduce_min3A_28 : vector<256xi32> to vector<256x1xi32>
    %swap3A = arith.constant 0 : index
    %swap3A_30 = arith.constant 0 : index
    %swap3A_31 = arith.constant 0 : index
    %swap3A_32 = vector.load %arg6[%swap3A, %swap3A_30, %swap3A_31] : memref<1x256x1xi32, #tpu.memory_space<vmem>>, vector<1x256x1xi32>
    %swap3A_33 = vector.shape_cast %swap3A_32 : vector<1x256x1xi32> to vector<256x1xi32>
    %swap3A_34 = vector.shape_cast %broadcast_in_dim3A_29 : vector<256x1xi32> to vector<1x256x1xi32>
    tpu.vector_store %arg6[%swap3A, %swap3A_30, %swap3A_31], %swap3A_34 {strides = array<i32>} : memref<1x256x1xi32, #tpu.memory_space<vmem>>, vector<1x256x1xi32>,
    %sqrt3A = math.sqrt %broadcast_in_dim3A_24 : vector<256x1xf32>
    %reduce_sum3A_35 = vector.shape_cast %sqrt3A : vector<256x1xf32> to vector<1x256x1xf32>
    %reduce_sum3A_36 = arith.constant dense<0.000000e+00> : vector<1xf32>
    %reduce_sum3A_37 = vector.multi_reduction <add>, %reduce_sum3A_35, %reduce_sum3A_36 [1, 2] : vector<1x256x1xf32> to vector<1xf32>
    %reduce_sum3A_38 = vector.shape_cast %reduce_sum3A_37 : vector<1xf32> to vector<1x1x1xf32>
    %reduce_sum3A_39 = vector.extract %reduce_sum3A_38[0, 0, 0] : f32 from vector<1x1x1xf32>
    %broadcast_in_dim3A_40 = vector.broadcast %reduce_sum3A_39 : f32 to vector<1x1x1x1xf32>
    %swap3A_41 = arith.constant 0 : index
    %swap3A_42 = arith.constant 0 : index
    %swap3A_43 = arith.constant 0 : index
    %swap3A_44 = arith.constant 0 : index
    %swap3A_45 = vector.load %arg7[%swap3A_41, %swap3A_42, %swap3A_43, %swap3A_44] : memref<1x1x1x1xf32, #tpu.memory_space<vmem>>, vector<1x1x1x1xf32>
    tpu.vector_store %arg7[%swap3A_41, %swap3A_42, %swap3A_43, %swap3A_44], %broadcast_in_dim3A_40 {strides = array<i32>} : memref<1x1x1x1xf32, #tpu.memory_space<vmem>>, vector<1x1x1x1xf32>,
    %reduce_min3A_46 = arith.constant dense<0x7F800000> : vector<4096xf32>
    %reduce_min3A_47 = vector.multi_reduction <minimumf>, %max3A_22, %reduce_min3A_46 [0] : vector<256x4096xf32> to vector<4096xf32>
    %broadcast_in_dim3A_48 = vector.shape_cast %reduce_min3A_47 : vector<4096xf32> to vector<1x4096xf32>
    %swap3A_49 = arith.constant 0 : index
    %swap3A_50 = arith.constant 0 : index
    %swap3A_51 = arith.constant 0 : index
    %swap3A_52 = arith.constant 0 : index
    %swap3A_53 = vector.load %arg8[%swap3A_49, %swap3A_50, %swap3A_51, %swap3A_52] : memref<1x1x1x4096xf32, #tpu.memory_space<vmem>>, vector<1x1x1x4096xf32>
    %swap3A_54 = vector.shape_cast %swap3A_53 : vector<1x1x1x4096xf32> to vector<1x4096xf32>
    %swap3A_55 = vector.shape_cast %broadcast_in_dim3A_48 : vector<1x4096xf32> to vector<1x1x1x4096xf32>
    tpu.vector_store %arg8[%swap3A_49, %swap3A_50, %swap3A_51, %swap3A_52], %swap3A_55 {strides = array<i32>} : memref<1x1x1x4096xf32, #tpu.memory_space<vmem>>, vector<1x1x1x4096xf32>,
    %get3A_56 = arith.constant 0 : index
    %get3A_57 = arith.constant 0 : index
    %get3A_58 = arith.constant 0 : index
    %get3A_59 = vector.load %arg3[%get3A_56, %get3A_57, %get3A_58] : memref<1x256x3xf32, #tpu.memory_space<vmem>>, vector<1x256x3xf32>
    %get3A_60 = vector.shape_cast %get3A_59 : vector<1x256x3xf32> to vector<256x3xf32>
    %mul3A_61 = arith.mulf %get3A_60, %get3A_60 : vector<256x3xf32>
    %reduce_sum3A_62 = arith.constant dense<0.000000e+00> : vector<256xf32>
    %reduce_sum3A_63 = vector.multi_reduction <add>, %mul3A_61, %reduce_sum3A_62 [1] : vector<256x3xf32> to vector<256xf32>
    %broadcast_in_dim3A_64 = vector.shape_cast %reduce_sum3A_63 : vector<256xf32> to vector<256x1xf32>
    %dot_general3A_65 = arith.constant dense<0.000000e+00> : vector<256x4096xf32>
    %dot_general3A_66 = tpu.matmul %get3A_60, %get3A_3, %dot_general3A_65 {dimension_numbers = #tpu.dot_dimension_numbers<[1], [1], [0], [0], [0, 0, 1, 0], [], []>, transpose_lhs_hint = false} : vector<256x3xf32>, vector<4096x3xf32>, vector<256x4096xf32> -> vector<256x4096xf32>
    %add3A_67 = vector.broadcast %broadcast_in_dim3A_64 : vector<256x1xf32> to vector<256x4096xf32>
    %add3A_68 = vector.broadcast %get3A_8 : vector<1x4096xf32> to vector<256x4096xf32>
    %add3A_69 = arith.addf %add3A_67, %add3A_68 : vector<256x4096xf32>
    %mul3A_70 = arith.constant 2.000000e+00 : f32
    %mul3A_71 = vector.broadcast %mul3A_70 : f32 to vector<256x4096xf32>
    %mul3A_72 = arith.mulf %mul3A_71, %dot_general3A_66 : vector<256x4096xf32>
    %sub3A_73 = arith.subf %add3A_69, %mul3A_72 : vector<256x4096xf32>
    %max3A_74 = arith.constant 0.000000e+00 : f32
    %max3A_75 = vector.broadcast %max3A_74 : f32 to vector<256x4096xf32>
    %max3A_76 = arith.maximumf %sub3A_73, %max3A_75 : vector<256x4096xf32>
    %reduce_min3A_77 = arith.constant dense<0x7F800000> : vector<256xf32>
    %reduce_min3A_78 = vector.multi_reduction <minimumf>, %max3A_76, %reduce_min3A_77 [1] : vector<256x4096xf32> to vector<256xf32>
    %broadcast_in_dim3A_79 = vector.shape_cast %reduce_min3A_78 : vector<256xf32> to vector<256x1xf32>
    %sqrt3A_80 = math.sqrt %broadcast_in_dim3A_79 : vector<256x1xf32>
    %reduce_sum3A_81 = vector.shape_cast %sqrt3A_80 : vector<256x1xf32> to vector<1x256x1xf32>
    %reduce_sum3A_82 = arith.constant dense<0.000000e+00> : vector<1xf32>
    %reduce_sum3A_83 = vector.multi_reduction <add>, %reduce_sum3A_81, %reduce_sum3A_82 [1, 2] : vector<1x256x1xf32> to vector<1xf32>
    %reduce_sum3A_84 = vector.shape_cast %reduce_sum3A_83 : vector<1xf32> to vector<1x1x1xf32>
    %reduce_sum3A_85 = vector.extract %reduce_sum3A_84[0, 0, 0] : f32 from vector<1x1x1xf32>
    %broadcast_in_dim3A_86 = vector.broadcast %reduce_sum3A_85 : f32 to vector<1x1x1x1xf32>
    %swap3A_87 = arith.constant 0 : index
    %swap3A_88 = arith.constant 0 : index
    %swap3A_89 = arith.constant 0 : index
    %swap3A_90 = arith.constant 0 : index
    %swap3A_91 = vector.load %arg9[%swap3A_87, %swap3A_88, %swap3A_89, %swap3A_90] : memref<1x1x1x1xf32, #tpu.memory_space<vmem>>, vector<1x1x1x1xf32>
    tpu.vector_store %arg9[%swap3A_87, %swap3A_88, %swap3A_89, %swap3A_90], %broadcast_in_dim3A_86 {strides = array<i32>} : memref<1x1x1x1xf32, #tpu.memory_space<vmem>>, vector<1x1x1x1xf32>,
    %reduce_min3A_92 = arith.constant dense<0x7F800000> : vector<4096xf32>
    %reduce_min3A_93 = vector.multi_reduction <minimumf>, %max3A_76, %reduce_min3A_92 [0] : vector<256x4096xf32> to vector<4096xf32>
    %broadcast_in_dim3A_94 = vector.shape_cast %reduce_min3A_93 : vector<4096xf32> to vector<1x4096xf32>
    %swap3A_95 = arith.constant 0 : index
    %swap3A_96 = arith.constant 0 : index
    %swap3A_97 = arith.constant 0 : index
    %swap3A_98 = arith.constant 0 : index
    %swap3A_99 = vector.load %arg10[%swap3A_95, %swap3A_96, %swap3A_97, %swap3A_98] : memref<1x1x1x4096xf32, #tpu.memory_space<vmem>>, vector<1x1x1x4096xf32>
    %swap3A_100 = vector.shape_cast %swap3A_99 : vector<1x1x1x4096xf32> to vector<1x4096xf32>
    %swap3A_101 = vector.shape_cast %broadcast_in_dim3A_94 : vector<1x4096xf32> to vector<1x1x1x4096xf32>
    tpu.vector_store %arg10[%swap3A_95, %swap3A_96, %swap3A_97, %swap3A_98], %swap3A_101 {strides = array<i32>} : memref<1x1x1x4096xf32, #tpu.memory_space<vmem>>, vector<1x1x1x4096xf32>,
    return
  }
  func.func @transform_0(%arg0: i32, %arg1: i32) -> (i32, i32, i32) {
    %c0_i32 = arith.constant 0 : i32
    %c0_i32_0 = arith.constant 0 : i32
    return %arg0, %arg1, %c0_i32 : i32, i32, i32
  }
  func.func @transform_1(%arg0: i32, %arg1: i32) -> (i32, i32, i32) {
    %c0_i32 = arith.constant 0 : i32
    %c0_i32_0 = arith.constant 0 : i32
    return %arg0, %arg1, %c0_i32 : i32, i32, i32
  }
  func.func @transform_2(%arg0: i32, %arg1: i32) -> (i32, i32, i32) {
    %c0_i32 = arith.constant 0 : i32
    %c0_i32_0 = arith.constant 0 : i32
    %c0_i32_1 = arith.constant 0 : i32
    return %arg0, %c0_i32, %c0_i32_0 : i32, i32, i32
  }
  func.func @transform_3(%arg0: i32, %arg1: i32) -> (i32, i32, i32) {
    %c0_i32 = arith.constant 0 : i32
    %c0_i32_0 = arith.constant 0 : i32
    %c0_i32_1 = arith.constant 0 : i32
    return %arg0, %c0_i32, %c0_i32_0 : i32, i32, i32
  }
  func.func @transform_4(%arg0: i32, %arg1: i32) -> (i32, i32, i32) {
    %c0_i32 = arith.constant 0 : i32
    %c0_i32_0 = arith.constant 0 : i32
    return %arg0, %arg1, %c0_i32 : i32, i32, i32
  }
  func.func @transform_5(%arg0: i32, %arg1: i32) -> (i32, i32, i32, i32) {
    %c0_i32 = arith.constant 0 : i32
    %c0_i32_0 = arith.constant 0 : i32
    %c0_i32_1 = arith.constant 0 : i32
    return %arg0, %arg1, %c0_i32, %c0_i32_0 : i32, i32, i32, i32
  }
  func.func @transform_6(%arg0: i32, %arg1: i32) -> (i32, i32, i32, i32) {
    %c0_i32 = arith.constant 0 : i32
    %c0_i32_0 = arith.constant 0 : i32
    %c0_i32_1 = arith.constant 0 : i32
    return %arg0, %arg1, %c0_i32, %c0_i32_0 : i32, i32, i32, i32
  }
  func.func @transform_7(%arg0: i32, %arg1: i32) -> (i32, i32, i32, i32) {
    %c0_i32 = arith.constant 0 : i32
    %c0_i32_0 = arith.constant 0 : i32
    %c0_i32_1 = arith.constant 0 : i32
    return %arg0, %arg1, %c0_i32, %c0_i32_0 : i32, i32, i32, i32
  }
  func.func @transform_8(%arg0: i32, %arg1: i32) -> (i32, i32, i32, i32) {
    %c0_i32 = arith.constant 0 : i32
    %c0_i32_0 = arith.constant 0 : i32
    %c0_i32_1 = arith.constant 0 : i32
    return %arg0, %arg1, %c0_i32, %c0_i32_0 : i32, i32, i32, i32
  }
}

module attributes {stable_mosaic.version = 14 : i64} {
  func.func @_loss_body(%arg0: memref<4x3x4096xf32, #tpu.memory_space<vmem>>, %arg1: memref<4x3x4096xf32, #tpu.memory_space<vmem>>, %arg2: memref<4x16x1x1xf32, #tpu.memory_space<vmem>>, %arg3: memref<4x16x1x4096xf32, #tpu.memory_space<vmem>>, %arg4: memref<4x16x1x1xf32, #tpu.memory_space<vmem>>, %arg5: memref<4x16x1x4096xf32, #tpu.memory_space<vmem>>, %arg6: memref<1x1xf32, #tpu.memory_space<vmem>>, %arg7: memref<4x4096xf32, #tpu.memory_space<vmem>>, %arg8: memref<4x4096xf32, #tpu.memory_space<vmem>>, %arg9: memref<4x4096xf32, #tpu.memory_space<vmem>>, %arg10: memref<4x4096xf32, #tpu.memory_space<vmem>>, %arg11: memref<4x4096xf32, #tpu.memory_space<vmem>>) attributes {dimension_semantics = [], scalar_prefetch = 0 : i64, scratch_operands = 0 : i64, tpu.core_type = #tpu.core_type<tc>} {
    %get3A = arith.constant 0 : index
    %get3A_0 = arith.constant 0 : index
    %get3A_1 = arith.constant 0 : index
    %get3A_2 = vector.load %arg0[%get3A, %get3A_0, %get3A_1] : memref<4x3x4096xf32, #tpu.memory_space<vmem>>, vector<4x3x4096xf32>
    %get3A_3 = arith.constant 0 : index
    %get3A_4 = arith.constant 0 : index
    %get3A_5 = arith.constant 0 : index
    %get3A_6 = vector.load %arg1[%get3A_3, %get3A_4, %get3A_5] : memref<4x3x4096xf32, #tpu.memory_space<vmem>>, vector<4x3x4096xf32>
    %get3A_7 = arith.constant 0 : index
    %get3A_8 = arith.constant 0 : index
    %get3A_9 = arith.constant 0 : index
    %get3A_10 = arith.constant 0 : index
    %get3A_11 = vector.load %arg3[%get3A_7, %get3A_8, %get3A_9, %get3A_10] : memref<4x16x1x4096xf32, #tpu.memory_space<vmem>>, vector<4x16x1x4096xf32>
    %reduce_min3A = arith.constant dense<0x7F800000> : vector<4x1x4096xf32>
    %reduce_min3A_12 = vector.multi_reduction <minimumf>, %get3A_11, %reduce_min3A [1] : vector<4x16x1x4096xf32> to vector<4x1x4096xf32>
    %sqrt3A = math.sqrt %reduce_min3A_12 : vector<4x1x4096xf32>
    %reduce_sum3A = vector.shape_cast %sqrt3A : vector<4x1x4096xf32> to vector<1x4x1x4096xf32>
    %reduce_sum3A_13 = arith.constant dense<0.000000e+00> : vector<1xf32>
    %reduce_sum3A_14 = vector.multi_reduction <add>, %reduce_sum3A, %reduce_sum3A_13 [1, 2, 3] : vector<1x4x1x4096xf32> to vector<1xf32>
    %reduce_sum3A_15 = vector.shape_cast %reduce_sum3A_14 : vector<1xf32> to vector<1x1x1x1xf32>
    %reduce_sum3A_16 = vector.extract %reduce_sum3A_15[0, 0, 0, 0] : f32 from vector<1x1x1x1xf32>
    %get3A_17 = arith.constant 0 : index
    %get3A_18 = arith.constant 0 : index
    %get3A_19 = arith.constant 0 : index
    %get3A_20 = arith.constant 0 : index
    %get3A_21 = vector.load %arg2[%get3A_17, %get3A_18, %get3A_19, %get3A_20] : memref<4x16x1x1xf32, #tpu.memory_space<vmem>>, vector<4x16x1x1xf32>
    %reduce_sum3A_22 = vector.shape_cast %get3A_21 : vector<4x16x1x1xf32> to vector<1x4x16x1x1xf32>
    %reduce_sum3A_23 = arith.constant dense<0.000000e+00> : vector<1xf32>
    %reduce_sum3A_24 = vector.multi_reduction <add>, %reduce_sum3A_22, %reduce_sum3A_23 [1, 2, 3, 4] : vector<1x4x16x1x1xf32> to vector<1xf32>
    %reduce_sum3A_25 = vector.shape_cast %reduce_sum3A_24 : vector<1xf32> to vector<1x1x1x1x1xf32>
    %reduce_sum3A_26 = vector.extract %reduce_sum3A_25[0, 0, 0, 0, 0] : f32 from vector<1x1x1x1x1xf32>
    %div3A = arith.constant 1.638400e+04 : f32
    %div3A_27 = arith.divf %reduce_sum3A_26, %div3A : f32
    %div3A_28 = arith.constant 1.638400e+04 : f32
    %div3A_29 = arith.divf %reduce_sum3A_16, %div3A_28 : f32
    %add3A = arith.addf %div3A_27, %div3A_29 : f32
    %div3A_30 = arith.constant 2.000000e+00 : f32
    %div3A_31 = arith.divf %add3A, %div3A_30 : f32
    %get3A_32 = arith.constant 0 : index
    %get3A_33 = arith.constant 0 : index
    %get3A_34 = arith.constant 0 : index
    %get3A_35 = arith.constant 0 : index
    %get3A_36 = vector.load %arg5[%get3A_32, %get3A_33, %get3A_34, %get3A_35] : memref<4x16x1x4096xf32, #tpu.memory_space<vmem>>, vector<4x16x1x4096xf32>
    %reduce_min3A_37 = arith.constant dense<0x7F800000> : vector<4x1x4096xf32>
    %reduce_min3A_38 = vector.multi_reduction <minimumf>, %get3A_36, %reduce_min3A_37 [1] : vector<4x16x1x4096xf32> to vector<4x1x4096xf32>
    %sqrt3A_39 = math.sqrt %reduce_min3A_38 : vector<4x1x4096xf32>
    %reduce_sum3A_40 = vector.shape_cast %sqrt3A_39 : vector<4x1x4096xf32> to vector<1x4x1x4096xf32>
    %reduce_sum3A_41 = arith.constant dense<0.000000e+00> : vector<1xf32>
    %reduce_sum3A_42 = vector.multi_reduction <add>, %reduce_sum3A_40, %reduce_sum3A_41 [1, 2, 3] : vector<1x4x1x4096xf32> to vector<1xf32>
    %reduce_sum3A_43 = vector.shape_cast %reduce_sum3A_42 : vector<1xf32> to vector<1x1x1x1xf32>
    %reduce_sum3A_44 = vector.extract %reduce_sum3A_43[0, 0, 0, 0] : f32 from vector<1x1x1x1xf32>
    %get3A_45 = arith.constant 0 : index
    %get3A_46 = arith.constant 0 : index
    %get3A_47 = arith.constant 0 : index
    %get3A_48 = arith.constant 0 : index
    %get3A_49 = vector.load %arg4[%get3A_45, %get3A_46, %get3A_47, %get3A_48] : memref<4x16x1x1xf32, #tpu.memory_space<vmem>>, vector<4x16x1x1xf32>
    %reduce_sum3A_50 = vector.shape_cast %get3A_49 : vector<4x16x1x1xf32> to vector<1x4x16x1x1xf32>
    %reduce_sum3A_51 = arith.constant dense<0.000000e+00> : vector<1xf32>
    %reduce_sum3A_52 = vector.multi_reduction <add>, %reduce_sum3A_50, %reduce_sum3A_51 [1, 2, 3, 4] : vector<1x4x16x1x1xf32> to vector<1xf32>
    %reduce_sum3A_53 = vector.shape_cast %reduce_sum3A_52 : vector<1xf32> to vector<1x1x1x1x1xf32>
    %reduce_sum3A_54 = vector.extract %reduce_sum3A_53[0, 0, 0, 0, 0] : f32 from vector<1x1x1x1x1xf32>
    %div3A_55 = arith.constant 1.638400e+04 : f32
    %div3A_56 = arith.divf %reduce_sum3A_54, %div3A_55 : f32
    %div3A_57 = arith.constant 1.638400e+04 : f32
    %div3A_58 = arith.divf %reduce_sum3A_44, %div3A_57 : f32
    %add3A_59 = arith.addf %div3A_56, %div3A_58 : f32
    %div3A_60 = arith.constant 2.000000e+00 : f32
    %div3A_61 = arith.divf %add3A_59, %div3A_60 : f32
    %add3A_62 = arith.addf %div3A_31, %div3A_61 : f32
    %broadcast_in_dim3A = vector.broadcast %add3A_62 : f32 to vector<1x1xf32>
    %swap3A = arith.constant 0 : index
    %swap3A_63 = arith.constant 0 : index
    %swap3A_64 = vector.load %arg6[%swap3A, %swap3A_63] : memref<1x1xf32, #tpu.memory_space<vmem>>, vector<1x1xf32>
    tpu.vector_store %arg6[%swap3A, %swap3A_63], %broadcast_in_dim3A {strides = array<i32>} : memref<1x1xf32, #tpu.memory_space<vmem>>, vector<1x1xf32>,
    %slice3A = vector.extract_strided_slice %get3A_2 {offsets = [0, 1, 0], sizes = [4, 1, 4096], strides = [1, 1, 1]} : vector<4x3x4096xf32> to vector<4x1x4096xf32>
    %squeeze3A = vector.shape_cast %slice3A : vector<4x1x4096xf32> to vector<4x4096xf32>
    %convert_element_type3A = arith.truncf %squeeze3A : vector<4x4096xf32> to vector<4x4096xbf16>
    %convert_element_type3A_65 = arith.extf %convert_element_type3A : vector<4x4096xbf16> to vector<4x4096xf32>
    %slice3A_66 = vector.extract_strided_slice %get3A_6 {offsets = [0, 1, 0], sizes = [4, 1, 4096], strides = [1, 1, 1]} : vector<4x3x4096xf32> to vector<4x1x4096xf32>
    %squeeze3A_67 = vector.shape_cast %slice3A_66 : vector<4x1x4096xf32> to vector<4x4096xf32>
    %convert_element_type3A_68 = arith.truncf %squeeze3A_67 : vector<4x4096xf32> to vector<4x4096xbf16>
    %convert_element_type3A_69 = arith.extf %convert_element_type3A_68 : vector<4x4096xbf16> to vector<4x4096xf32>
    %sub3A = arith.subf %convert_element_type3A_65, %convert_element_type3A_69 : vector<4x4096xf32>
    %integer_pow3A = arith.mulf %sub3A, %sub3A : vector<4x4096xf32>
    %swap3A_70 = arith.constant 0 : index
    %swap3A_71 = arith.constant 0 : index
    %swap3A_72 = vector.load %arg7[%swap3A_70, %swap3A_71] : memref<4x4096xf32, #tpu.memory_space<vmem>>, vector<4x4096xf32>
    tpu.vector_store %arg7[%swap3A_70, %swap3A_71], %integer_pow3A {strides = array<i32>} : memref<4x4096xf32, #tpu.memory_space<vmem>>, vector<4x4096xf32>,
    %slice3A_73 = vector.extract_strided_slice %get3A_2 {offsets = [0, 2, 0], sizes = [4, 1, 4096], strides = [1, 1, 1]} : vector<4x3x4096xf32> to vector<4x1x4096xf32>
    %squeeze3A_74 = vector.shape_cast %slice3A_73 : vector<4x1x4096xf32> to vector<4x4096xf32>
    %convert_element_type3A_75 = arith.truncf %squeeze3A_74 : vector<4x4096xf32> to vector<4x4096xbf16>
    %convert_element_type3A_76 = arith.extf %convert_element_type3A_75 : vector<4x4096xbf16> to vector<4x4096xf32>
    %slice3A_77 = vector.extract_strided_slice %get3A_6 {offsets = [0, 2, 0], sizes = [4, 1, 4096], strides = [1, 1, 1]} : vector<4x3x4096xf32> to vector<4x1x4096xf32>
    %squeeze3A_78 = vector.shape_cast %slice3A_77 : vector<4x1x4096xf32> to vector<4x4096xf32>
    %convert_element_type3A_79 = arith.truncf %squeeze3A_78 : vector<4x4096xf32> to vector<4x4096xbf16>
    %convert_element_type3A_80 = arith.extf %convert_element_type3A_79 : vector<4x4096xbf16> to vector<4x4096xf32>
    %mul3A = arith.mulf %convert_element_type3A_76, %convert_element_type3A_76 : vector<4x4096xf32>
    %swap3A_81 = arith.constant 0 : index
    %swap3A_82 = arith.constant 0 : index
    %swap3A_83 = vector.load %arg8[%swap3A_81, %swap3A_82] : memref<4x4096xf32, #tpu.memory_space<vmem>>, vector<4x4096xf32>
    tpu.vector_store %arg8[%swap3A_81, %swap3A_82], %mul3A {strides = array<i32>} : memref<4x4096xf32, #tpu.memory_space<vmem>>, vector<4x4096xf32>,
    %mul3A_84 = arith.mulf %convert_element_type3A_80, %convert_element_type3A_80 : vector<4x4096xf32>
    %swap3A_85 = arith.constant 0 : index
    %swap3A_86 = arith.constant 0 : index
    %swap3A_87 = vector.load %arg9[%swap3A_85, %swap3A_86] : memref<4x4096xf32, #tpu.memory_space<vmem>>, vector<4x4096xf32>
    tpu.vector_store %arg9[%swap3A_85, %swap3A_86], %mul3A_84 {strides = array<i32>} : memref<4x4096xf32, #tpu.memory_space<vmem>>, vector<4x4096xf32>,
    %slice3A_88 = vector.extract_strided_slice %get3A_2 {offsets = [0, 0, 0], sizes = [4, 1, 4096], strides = [1, 1, 1]} : vector<4x3x4096xf32> to vector<4x1x4096xf32>
    %squeeze3A_89 = vector.shape_cast %slice3A_88 : vector<4x1x4096xf32> to vector<4x4096xf32>
    %slice3A_90 = vector.extract_strided_slice %get3A_2 {offsets = [0, 1, 0], sizes = [4, 1, 4096], strides = [1, 1, 1]} : vector<4x3x4096xf32> to vector<4x1x4096xf32>
    %squeeze3A_91 = vector.shape_cast %slice3A_90 : vector<4x1x4096xf32> to vector<4x4096xf32>
    %slice3A_92 = vector.extract_strided_slice %get3A_2 {offsets = [0, 2, 0], sizes = [4, 1, 4096], strides = [1, 1, 1]} : vector<4x3x4096xf32> to vector<4x1x4096xf32>
    %squeeze3A_93 = vector.shape_cast %slice3A_92 : vector<4x1x4096xf32> to vector<4x4096xf32>
    %slice3A_94 = vector.extract_strided_slice %squeeze3A_89 {offsets = [0, 1], sizes = [4, 4095], strides = [1, 1]} : vector<4x4096xf32> to vector<4x4095xf32>
    %slice3A_95 = vector.extract_strided_slice %squeeze3A_89 {offsets = [0, 0], sizes = [4, 1], strides = [1, 1]} : vector<4x4096xf32> to vector<4x1xf32>
    %concatenate3A = tpu.concatenate %slice3A_94, %slice3A_95 in 1 : vector<4x4095xf32>, vector<4x1xf32> -> vector<4x4096xf32>
    %slice3A_96 = vector.extract_strided_slice %squeeze3A_91 {offsets = [0, 1], sizes = [4, 4095], strides = [1, 1]} : vector<4x4096xf32> to vector<4x4095xf32>
    %slice3A_97 = vector.extract_strided_slice %squeeze3A_91 {offsets = [0, 0], sizes = [4, 1], strides = [1, 1]} : vector<4x4096xf32> to vector<4x1xf32>
    %concatenate3A_98 = tpu.concatenate %slice3A_96, %slice3A_97 in 1 : vector<4x4095xf32>, vector<4x1xf32> -> vector<4x4096xf32>
    %slice3A_99 = vector.extract_strided_slice %squeeze3A_93 {offsets = [0, 1], sizes = [4, 4095], strides = [1, 1]} : vector<4x4096xf32> to vector<4x4095xf32>
    %slice3A_100 = vector.extract_strided_slice %squeeze3A_93 {offsets = [0, 0], sizes = [4, 1], strides = [1, 1]} : vector<4x4096xf32> to vector<4x1xf32>
    %concatenate3A_101 = tpu.concatenate %slice3A_99, %slice3A_100 in 1 : vector<4x4095xf32>, vector<4x1xf32> -> vector<4x4096xf32>
    %slice3A_102 = vector.extract_strided_slice %squeeze3A_89 {offsets = [0, 2], sizes = [4, 4094], strides = [1, 1]} : vector<4x4096xf32> to vector<4x4094xf32>
    %slice3A_103 = vector.extract_strided_slice %squeeze3A_89 {offsets = [0, 0], sizes = [4, 2], strides = [1, 1]} : vector<4x4096xf32> to vector<4x2xf32>
    %concatenate3A_104 = tpu.concatenate %slice3A_102, %slice3A_103 in 1 : vector<4x4094xf32>, vector<4x2xf32> -> vector<4x4096xf32>
    %slice3A_105 = vector.extract_strided_slice %squeeze3A_91 {offsets = [0, 2], sizes = [4, 4094], strides = [1, 1]} : vector<4x4096xf32> to vector<4x4094xf32>
    %slice3A_106 = vector.extract_strided_slice %squeeze3A_91 {offsets = [0, 0], sizes = [4, 2], strides = [1, 1]} : vector<4x4096xf32> to vector<4x2xf32>
    %concatenate3A_107 = tpu.concatenate %slice3A_105, %slice3A_106 in 1 : vector<4x4094xf32>, vector<4x2xf32> -> vector<4x4096xf32>
    %slice3A_108 = vector.extract_strided_slice %squeeze3A_93 {offsets = [0, 2], sizes = [4, 4094], strides = [1, 1]} : vector<4x4096xf32> to vector<4x4094xf32>
    %slice3A_109 = vector.extract_strided_slice %squeeze3A_93 {offsets = [0, 0], sizes = [4, 2], strides = [1, 1]} : vector<4x4096xf32> to vector<4x2xf32>
    %concatenate3A_110 = tpu.concatenate %slice3A_108, %slice3A_109 in 1 : vector<4x4094xf32>, vector<4x2xf32> -> vector<4x4096xf32>
    %mul3A_111 = arith.mulf %concatenate3A_98, %concatenate3A_110 : vector<4x4096xf32>
    %mul3A_112 = arith.mulf %concatenate3A_101, %concatenate3A_107 : vector<4x4096xf32>
    %sub3A_113 = arith.subf %mul3A_111, %mul3A_112 : vector<4x4096xf32>
    %mul3A_114 = arith.mulf %squeeze3A_89, %sub3A_113 : vector<4x4096xf32>
    %mul3A_115 = arith.mulf %concatenate3A_101, %concatenate3A_104 : vector<4x4096xf32>
    %mul3A_116 = arith.mulf %concatenate3A, %concatenate3A_110 : vector<4x4096xf32>
    %sub3A_117 = arith.subf %mul3A_115, %mul3A_116 : vector<4x4096xf32>
    %mul3A_118 = arith.mulf %squeeze3A_91, %sub3A_117 : vector<4x4096xf32>
    %add3A_119 = arith.addf %mul3A_114, %mul3A_118 : vector<4x4096xf32>
    %mul3A_120 = arith.mulf %concatenate3A, %concatenate3A_107 : vector<4x4096xf32>
    %mul3A_121 = arith.mulf %concatenate3A_98, %concatenate3A_104 : vector<4x4096xf32>
    %sub3A_122 = arith.subf %mul3A_120, %mul3A_121 : vector<4x4096xf32>
    %mul3A_123 = arith.mulf %squeeze3A_93, %sub3A_122 : vector<4x4096xf32>
    %add3A_124 = arith.addf %add3A_119, %mul3A_123 : vector<4x4096xf32>
    %swap3A_125 = arith.constant 0 : index
    %swap3A_126 = arith.constant 0 : index
    %swap3A_127 = vector.load %arg10[%swap3A_125, %swap3A_126] : memref<4x4096xf32, #tpu.memory_space<vmem>>, vector<4x4096xf32>
    tpu.vector_store %arg10[%swap3A_125, %swap3A_126], %add3A_124 {strides = array<i32>} : memref<4x4096xf32, #tpu.memory_space<vmem>>, vector<4x4096xf32>,
    %slice3A_128 = vector.extract_strided_slice %get3A_6 {offsets = [0, 0, 0], sizes = [4, 1, 4096], strides = [1, 1, 1]} : vector<4x3x4096xf32> to vector<4x1x4096xf32>
    %squeeze3A_129 = vector.shape_cast %slice3A_128 : vector<4x1x4096xf32> to vector<4x4096xf32>
    %slice3A_130 = vector.extract_strided_slice %get3A_6 {offsets = [0, 1, 0], sizes = [4, 1, 4096], strides = [1, 1, 1]} : vector<4x3x4096xf32> to vector<4x1x4096xf32>
    %squeeze3A_131 = vector.shape_cast %slice3A_130 : vector<4x1x4096xf32> to vector<4x4096xf32>
    %slice3A_132 = vector.extract_strided_slice %get3A_6 {offsets = [0, 2, 0], sizes = [4, 1, 4096], strides = [1, 1, 1]} : vector<4x3x4096xf32> to vector<4x1x4096xf32>
    %squeeze3A_133 = vector.shape_cast %slice3A_132 : vector<4x1x4096xf32> to vector<4x4096xf32>
    %slice3A_134 = vector.extract_strided_slice %squeeze3A_129 {offsets = [0, 1], sizes = [4, 4095], strides = [1, 1]} : vector<4x4096xf32> to vector<4x4095xf32>
    %slice3A_135 = vector.extract_strided_slice %squeeze3A_129 {offsets = [0, 0], sizes = [4, 1], strides = [1, 1]} : vector<4x4096xf32> to vector<4x1xf32>
    %concatenate3A_136 = tpu.concatenate %slice3A_134, %slice3A_135 in 1 : vector<4x4095xf32>, vector<4x1xf32> -> vector<4x4096xf32>
    %slice3A_137 = vector.extract_strided_slice %squeeze3A_131 {offsets = [0, 1], sizes = [4, 4095], strides = [1, 1]} : vector<4x4096xf32> to vector<4x4095xf32>
    %slice3A_138 = vector.extract_strided_slice %squeeze3A_131 {offsets = [0, 0], sizes = [4, 1], strides = [1, 1]} : vector<4x4096xf32> to vector<4x1xf32>
    %concatenate3A_139 = tpu.concatenate %slice3A_137, %slice3A_138 in 1 : vector<4x4095xf32>, vector<4x1xf32> -> vector<4x4096xf32>
    %slice3A_140 = vector.extract_strided_slice %squeeze3A_133 {offsets = [0, 1], sizes = [4, 4095], strides = [1, 1]} : vector<4x4096xf32> to vector<4x4095xf32>
    %slice3A_141 = vector.extract_strided_slice %squeeze3A_133 {offsets = [0, 0], sizes = [4, 1], strides = [1, 1]} : vector<4x4096xf32> to vector<4x1xf32>
    %concatenate3A_142 = tpu.concatenate %slice3A_140, %slice3A_141 in 1 : vector<4x4095xf32>, vector<4x1xf32> -> vector<4x4096xf32>
    %slice3A_143 = vector.extract_strided_slice %squeeze3A_129 {offsets = [0, 2], sizes = [4, 4094], strides = [1, 1]} : vector<4x4096xf32> to vector<4x4094xf32>
    %slice3A_144 = vector.extract_strided_slice %squeeze3A_129 {offsets = [0, 0], sizes = [4, 2], strides = [1, 1]} : vector<4x4096xf32> to vector<4x2xf32>
    %concatenate3A_145 = tpu.concatenate %slice3A_143, %slice3A_144 in 1 : vector<4x4094xf32>, vector<4x2xf32> -> vector<4x4096xf32>
    %slice3A_146 = vector.extract_strided_slice %squeeze3A_131 {offsets = [0, 2], sizes = [4, 4094], strides = [1, 1]} : vector<4x4096xf32> to vector<4x4094xf32>
    %slice3A_147 = vector.extract_strided_slice %squeeze3A_131 {offsets = [0, 0], sizes = [4, 2], strides = [1, 1]} : vector<4x4096xf32> to vector<4x2xf32>
    %concatenate3A_148 = tpu.concatenate %slice3A_146, %slice3A_147 in 1 : vector<4x4094xf32>, vector<4x2xf32> -> vector<4x4096xf32>
    %slice3A_149 = vector.extract_strided_slice %squeeze3A_133 {offsets = [0, 2], sizes = [4, 4094], strides = [1, 1]} : vector<4x4096xf32> to vector<4x4094xf32>
    %slice3A_150 = vector.extract_strided_slice %squeeze3A_133 {offsets = [0, 0], sizes = [4, 2], strides = [1, 1]} : vector<4x4096xf32> to vector<4x2xf32>
    %concatenate3A_151 = tpu.concatenate %slice3A_149, %slice3A_150 in 1 : vector<4x4094xf32>, vector<4x2xf32> -> vector<4x4096xf32>
    %mul3A_152 = arith.mulf %concatenate3A_139, %concatenate3A_151 : vector<4x4096xf32>
    %mul3A_153 = arith.mulf %concatenate3A_142, %concatenate3A_148 : vector<4x4096xf32>
    %sub3A_154 = arith.subf %mul3A_152, %mul3A_153 : vector<4x4096xf32>
    %mul3A_155 = arith.mulf %squeeze3A_129, %sub3A_154 : vector<4x4096xf32>
    %mul3A_156 = arith.mulf %concatenate3A_142, %concatenate3A_145 : vector<4x4096xf32>
    %mul3A_157 = arith.mulf %concatenate3A_136, %concatenate3A_151 : vector<4x4096xf32>
    %sub3A_158 = arith.subf %mul3A_156, %mul3A_157 : vector<4x4096xf32>
    %mul3A_159 = arith.mulf %squeeze3A_131, %sub3A_158 : vector<4x4096xf32>
    %add3A_160 = arith.addf %mul3A_155, %mul3A_159 : vector<4x4096xf32>
    %mul3A_161 = arith.mulf %concatenate3A_136, %concatenate3A_148 : vector<4x4096xf32>
    %mul3A_162 = arith.mulf %concatenate3A_139, %concatenate3A_145 : vector<4x4096xf32>
    %sub3A_163 = arith.subf %mul3A_161, %mul3A_162 : vector<4x4096xf32>
    %mul3A_164 = arith.mulf %squeeze3A_133, %sub3A_163 : vector<4x4096xf32>
    %add3A_165 = arith.addf %add3A_160, %mul3A_164 : vector<4x4096xf32>
    %swap3A_166 = arith.constant 0 : index
    %swap3A_167 = arith.constant 0 : index
    %swap3A_168 = vector.load %arg11[%swap3A_166, %swap3A_167] : memref<4x4096xf32, #tpu.memory_space<vmem>>, vector<4x4096xf32>
    tpu.vector_store %arg11[%swap3A_166, %swap3A_167], %add3A_165 {strides = array<i32>} : memref<4x4096xf32, #tpu.memory_space<vmem>>, vector<4x4096xf32>,
    return
  }
}

</mosaic_0001>

<sc_bundles>
// kernel: gather_offload_async_start
scs
__scs_entry_jumppad:
0x0: {  	(pc) =	sbr.rel $0x88, $3  }
0x1: {  	(tag) =	ssettag $0x0;
	lr =	simm.s32 $0x1  }
0x2: {  	[smem:$0x3F9F] =	sst lr;
	_ =	strace $0xD0000000  }
0x3: {  	_ = 	snop  }
0x4: {  	_ = 	snop  }
0x5: {  	_ = 	snop  }
0x6: {  	_ = 	snop  }
0x7: {  	_ = 	snop  }
__scs_overlays_trampoline_lowered:
0x8: {  	[smem:$0x3FAE] =	sst s0  }
0x9: {  	[smem:$0x3FAF] =	sst s1  }
0xa: {  	[smem:$0x3FB0] =	sst s2  }
0xb: {  	[smem:$0x3FB1] =	sst s3  }
0xc: {  	[smem:$0x3FB2] =	sst s4  }
0xd: {  	[smem:$0x3FB3] =	sst s5  }
0xe: {  	[smem:$0x3FB4] =	sst s6  }
0xf: {  	[smem:$0x3FB5] =	sst s7  }
0x10: {  	[smem:$0x3FB6] =	sst s8  }
0x11: {  	[smem:$0x3FB7] =	sst s9;
	s0 =	simm.s32 @!p0 $0x0  }
0x12: {  	s1 =	sld [smem:$0x3F9D];
	s0 =	simm.s32 @p0 $0x1  }
0x13: {  	[smem:$0x3FB8] =	sst s0;
	s0 =	simm.s32 @!p1 $0x0  }
0x14: {  	s2 =	sld [smem:$0x3F9C];
	s0 =	simm.s32 @p1 $0x1  }
0x15: {  	[smem:$0x3FB9] =	sst s0;
	s0 =	simm.s32 @!p2 $0x0  }
0x16: {  	s3 =	sld [smem:$0x3FDB];
	s0 =	simm.s32 @p2 $0x1  }
0x17: {  	s4 =	simm.s32 $0x1BF5;
	[smem:$0x3FBB] =	sst s0  }
0x18: {  	s0 =	sld [smem:$0x3F9E];
	_ =	swait.ge [sflag:s4], $0x0  }
0x19: {  	s7 =	sld [smem:$0x3F9F]  }
0x1a: {  	s8 =	sadd.s32 $0xFFFFE003, lr  }
0x1b: {  	s9 =	sadd.s32 $0xFFFFFEF7, lr;
	s5 =	simm.s32 $0xFFFFFFFF;
	p2 =	slt.u32 s8, $0xFFFFF086  }
0x1c: {  	p1 =	slt.u32 s9, $0xF7A;
	s5 =	simm.s32 @!p2 $0x0  }
0x1d: {  	s5 =	simm.s32 @p1 $0x1;
	p0 =	seq.s32 s7, s2  }
0x1e: {  	s7 =	smul.u32 @!p0 $0xF7A, s2;
	p2 =	seq.s32 @!p0 s5, $0x0  }
0x1f: {  	s9 =	smul.u32 $0xF7A, s1;
	s8 =	simm.s32 @!p0 $0x1BF5;
	p2 =	por !p2, p0  }
0x20: {  	[sflag:s8] =	ssyncset.s32 @!p0 $0xFFFFF086;
	s6 =	sadd.s32 @!p0 s3, s7;
	s7 =	simm.s32 @!p0 $0x108  }
0x21: {  	s3 =	sadd.s32 s3, s9;
	s6 =	sadd.s32 @!p0 $0x88, s6;
	s7 =	simm.s32 @p2 $0x1082  }
0x22: {  	[simem:s7], [sflag:s8] =	dma.local @!p0 [hbm:s6], $0xF7A  }
0x23: {  	s9 =	sor.u32 $0xD0000000, s2;
	s6 =	simm.s32 $0x108;
	_ =	swait.ge @!p0 [sflag:s8], $0x0  }
0x24: {  	s3 =	sadd.s32 $0x88, s3;
	s6 =	simm.s32 @!p1 $0x1082;
	[sflag:s4] =	ssyncset.s32 $0xFFFFF086  }
0x25: {  	[simem:s6], [sflag:s4] =	dma.local [hbm:s3], $0xF7A  }
0x26: {  	[smem:$0x3F9F] =	sst s1;
	(tag) =	ssettag s2;
	_ =	strace s9  }
0x27: {  	s1 =	sld [smem:$0x3FAF]  }
0x28: {  	s2 =	sld [smem:$0x3FB0]  }
0x29: {  	s4 =	sld [smem:$0x3FB2]  }
0x2a: {  	p0 =	seq.s32 s5, $0x0;
	s5 =	sld [smem:$0x3FB3]  }
0x2b: {  	s6 =	sld [smem:$0x3FB4]  }
0x2c: {  	s7 =	sld [smem:$0x3FB5]  }
0x2d: {  	s3 =	simm.s32 $0x108;
	s8 =	sld [smem:$0x3FB6]  }
0x2e: {  	s3 =	simm.s32 @!p0 $0x1082;
	s9 =	sld [smem:$0x3FB7]  }
0x2f: {  	lr =	sadd.s32 s0, s3;
	s0 =	sld [smem:$0x3FAE]  }
0x30: {  	s3 =	sld [smem:$0x3FB1]  }
0x31: {  	[smem:$0x3FBA] =	sst s10  }
0x32: {  	s10 =	sld [smem:$0x3FB8];
	_ =	sdelay $0x3  }
0x33: {  	p0 =	seq.s32 s10, $0x1;
	s10 =	sld [smem:$0x3FBA];
	_ =	sdelay $0x3  }
0x34: {  	[smem:$0x3FBA] =	sst s10  }
0x35: {  	s10 =	sld [smem:$0x3FB9];
	_ =	sdelay $0x3  }
0x36: {  	p1 =	seq.s32 s10, $0x1;
	s10 =	sld [smem:$0x3FBA];
	_ =	sdelay $0x3  }
0x37: {  	[smem:$0x3FBA] =	sst s10  }
0x38: {  	s10 =	sld [smem:$0x3FBB]  }
0x39: {  	_ = 	snop;
	(pc) =	sbr.ind lr, $3  }
0x3a: {  	_ = 	snop  }
0x3b: {  	_ = 	snop  }
0x3c: {  	p2 =	seq.s32 s10, $0x1;
	s10 =	sld [smem:$0x3FBA]  }
0x3d: {  	_ =	shalt  }
0x3e: {  	_ =	shalt  }
0x3f: {  	_ =	shalt  }
0x40: {  	_ =	shalt  }
0x41: {  	_ =	shalt  }
0x42: {  	_ =	shalt  }
0x43: {  	_ =	shalt  }
0x44: {  	_ =	shalt  }
0x45: {  	_ =	shalt  }
0x46: {  	_ =	shalt  }
0x47: {  	_ =	shalt  }
0x48: {  	_ =	shalt  }
0x49: {  	_ =	shalt  }
0x4a: {  	_ =	shalt  }
0x4b: {  	_ =	shalt  }
0x4c: {  	_ =	shalt  }
0x4d: {  	_ =	shalt  }
0x4e: {  	_ =	shalt  }
0x4f: {  	_ =	shalt  }
0x50: {  	_ =	shalt  }
0x51: {  	_ =	shalt  }
0x52: {  	_ =	shalt  }
0x53: {  	_ =	shalt  }
0x54: {  	_ =	shalt  }
0x55: {  	_ =	shalt  }
0x56: {  	_ =	shalt  }
0x57: {  	_ =	shalt  }
0x58: {  	_ =	shalt  }
0x59: {  	_ =	shalt  }
0x5a: {  	_ =	shalt  }
0x5b: {  	_ =	shalt  }
0x5c: {  	_ =	shalt  }
0x5d: {  	_ =	shalt  }
0x5e: {  	_ =	shalt  }
0x5f: {  	_ =	shalt  }
0x60: {  	_ =	shalt  }
0x61: {  	_ =	shalt  }
0x62: {  	_ =	shalt  }
0x63: {  	_ =	shalt  }
0x64: {  	_ =	shalt  }
0x65: {  	_ =	shalt  }
0x66: {  	_ =	shalt  }
0x67: {  	_ =	shalt  }
0x68: {  	_ =	shalt  }
0x69: {  	_ =	shalt  }
0x6a: {  	_ =	shalt  }
0x6b: {  	_ =	shalt  }
0x6c: {  	_ =	shalt  }
0x6d: {  	_ =	shalt  }
0x6e: {  	_ =	shalt  }
0x6f: {  	_ =	shalt  }
0x70: {  	_ =	shalt  }
0x71: {  	_ =	shalt  }
0x72: {  	_ =	shalt  }
0x73: {  	_ =	shalt  }
0x74: {  	_ =	shalt  }
0x75: {  	_ =	shalt  }
0x76: {  	_ =	shalt  }
0x77: {  	_ =	shalt  }
0x78: {  	_ =	shalt  }
0x79: {  	_ =	shalt  }
0x7a: {  	_ =	shalt  }
0x7b: {  	_ =	shalt  }
0x7c: {  	_ =	shalt  }
0x7d: {  	_ =	shalt  }
0x7e: {  	_ =	shalt  }
0x7f: {  	_ =	shalt  }
0x80: {  	_ =	shalt  }
0x81: {  	_ =	shalt  }
0x82: {  	_ =	shalt  }
0x83: {  	_ =	shalt  }
0x84: {  	_ =	shalt  }
0x85: {  	_ =	shalt  }
0x86: {  	_ =	shalt  }
0x87: {  	_ =	shalt  }
.Lfunc_end0:
.L_simem_size_0:
called_computation_lowered:
.L_overlay_start_0:
0x88: {  	s2 =	sld [smem:$0x3FD9]  }
0x89: {  	s3 =	sld [smem:$0x3FFE];
	_ =	sdelay $0x1  }
0x8a: {  	s1 =	srdreg.scid  }
0x8b: {  	s0 =	sand.u32 $0x1, s1  }
0x8c: {  	s16 =	sshll.u32 s0, $0xA;
	s2 =	sadd.s32 s3, s2  }
0x8d: {  	s2 =	sadd.s32 s2, s16  }
0x8e: {  	[smem:$0x3FC6] =	sst s2  }
0x8f: {  	_ = 	snop  }
0x90: {  	(tm) =	ssettm $0x1  }
0x91: {  	s17 =	sld [smem:$0x3FFB];
	_ =	sdelay $0x3  }
0x92: {  	_ =	strace s17  }
0x93: {  	s2 =	sld [smem:$0x3FFC];
	_ =	sdelay $0x3  }
0x94: {  	_ =	strace s2  }
0x95: {  	s2 =	sld [smem:$0x3FFD];
	_ =	sdelay $0x3  }
0x96: {  	_ =	strace s2  }
0x97: {  	_ =	strace $0x8FFFFFFF  }
0x98: {  	s18 =	sld [smem:$0x3FDB];
	_ =	sdelay $0x1  }
0x99: {  	s19 =	simm.s32 $_scs_section_size  }
0x9a: {  	s4 =	simm.s32 $_size__tile_overlayer_lowered;
	s5 =	simm.s32 $_tile_overlayer_lowered  }
0x9b: {  	s22 =	simm.s32 $0x1BFF;
	s21 =	sshll.u32 s5, $0x1;
	s2 =	sadd.s32 s19, s18  }
0x9c: {  	s6 =	simm.s32 $0x0;
	s20 =	sshll.u32 s4, $0x1;
	s4 =	sadd.s32 s21, s2  }
0x9d: {  	[timem:s6], [sflag:s22] =	dma.local [hbm:s4], s20  }
0x9e: {  	_ =	swait.ge [sflag:s22], s20  }
0x9f: {  	s3 =	ssub.s32 $0x0, s20;
	[sflag:s22] =	ssyncset.done $0x0  }
0xa0: {  	[sflag:s22] =	ssyncadd.s32 s3;
	_ =	sdelay $0x1  }
0xa1: {  	s23 =	simm.s32 $0x1B8B  }
0xa2: {  	_ =	swait.ge [sflag:s23], $0x1  }
0xa3: {  	[sflag:s23] =	ssyncset.done $0x0  }
0xa4: {  	s25 =	simm.s32 $0x1B8E;
	s24 =	sld [smem:$0x3FFE];
	[sflag:s23] =	ssyncadd.s32 $0xFFFFFFFF  }
0xa5: {  	s26 =	simm.s32 $execute0_lowered;
	[smem:$0x3FD2] =	sst s25  }
0xa6: {  	s4 =	sshll.u32 s26, $0x1;
	_ =	strace $0x80000046;
	[dreg:$0x1] =	wrdreg $0xFFFFFFFF  }
0xa7: {  	s28 =	simm.s32 $_size_execute0_lowered;
	s2 =	sadd.s32 s2, s4;
	[dreg:$0x0] =	wrdreg $0x0  }
0xa8: {  	s4 =	sshll.u32 s28, $0x1;
	[dreg:$0x2] =	wrdreg s2  }
0xa9: {  	[dreg:$0x3] =	wrdreg s4  }
0xaa: {  	[dreg:$0x4] =	wrdreg $0xC0  }
0xab: {  	_ =	task [dreg:s6], $0x5FFFF  }
0xac: {  	[dreg:$0x1] =	wrdreg $0xFFFFFFFF  }
0xad: {  	[dreg:$0x0] =	wrdreg $0x60  }
0xae: {  	[dreg:$0x2] =	wrdreg s24  }
0xaf: {  	[dreg:$0x3] =	wrdreg $0x9  }
0xb0: {  	_ =	task.clear_ibuf [dreg:s6], $0x4FFFF;
	_ =	strace $0x90000046  }
0xb1: {  	s29 =	simm.s32 $0x9;
	_ =	strace $0x80000048  }
0xb2: {  	_ =	swait.ge [sflag:s29], $0x1  }
0xb3: {  	[sflag:s29] =	ssyncadd.s32 $0xFFFFFFFF  }
0xb4: {  	_ =	strace $0x90000048  }
0xb5: {  	_ =	sfence  }
0xb6: {  	s30 =	sld [smem:$0x0];
	_ =	sdelay $0x2  }
0xb7: {  	s31 =	sshll.u32 s1, $0xD;
	s1 =	sshrl.u32 s1, $0x2  }
0xb8: {  	s3 =	sand.u32 $0x4000, s31;
	s1 =	sadd.s32 s1, s30  }
0xb9: {  	s0 =	sor.u32 s3, s0;
	s1 =	sshll.u32 s1, $0x11  }
0xba: {  	s0 =	sor.u32 s1, s0  }
0xbb: {  	s0 =	sadd.s32 $0x8F2B, s0  }
0xbc: {  	[sflag:s0] =	ssyncadd.remote.s32 $0x1  }
0xbd: {  	_ =	sfence.sel $0xFFFF  }
0xbe: {  	[dreg:$0x0] =	wrdreg $0xFFFFFFFF;
	(pc) =	sbr.abs _section_cstart, $3  }
0xbf: {  	[dreg:$0x1] =	wrdreg $0xFFFFFFFF  }
0xc0: {  	_ =	task.clear_ibuf [dreg:s6], $0x2FFFF;
	_ =	strace $0x9FFFFFFF  }
0xc1: {  	(tm) =	ssettm $0x7FFFFFFF  }
tec
execute0_lowered:
.L_overlay_start_1:
0x0: {  	(tag) =	ssettag $0x1  }
0x1: {  	s2 =	rddreg [dreg:$0x0]  }
0x2: {  	s0 =	rddreg [dreg:$0x1]  }
0x3: {  	s1 =	srdreg.scid;
	_ =	strace $0x80000047;
	s4 =	simm.s32 $0x1  }
0x4: {  	s9 =	simm.s32 $0x3;
	s11 =	simm.s32 $0x0;
	s5 =	sshll.u32 s1, $0x4  }
.Ltmp0:
0x5: {  	s1 =	stileid.u32;
	s5 =	sand.u32 $0x10, s5;
	(pc) =	sbr.rel .LBB2_1-.Ltmp0, $4  }
0x6: {  	p0 =	por $0x0, $0x0;
	s3 =	sadd.s32 $0x40000, s2;
	s6 =	sor.u32 s1, s5  }
0x7: {  	[sflag:s4] =	ssyncpa.u1 $0x0;
	s5 =	simm.s32 $0x2;
	s6 =	sshll.u32 s6, $0x9  }
0x8: {  	s7 =	sadd.s32 $0x40800, s2;
	[sflag:s5] =	ssyncpa.u1 $0x0;
	s8 =	sadd.s32 $0x200, s6  }
0x9: {  	vm0 =	vmmov $0xff;
	vm1 =	vcmask $0x3F20;
	[sflag:s9] =	ssyncpa.u1 $0x0;
	s10 =	smov.u32 s6;
	s9 =	simm.s32 $0x0  }
.LBB2_7:
0xa: {  	p1 =	slt.u32 s9, $0x2;
	s11 =	sadd.s32 $0x100, s10  }
0xb: {  	s13 =	smov.u32 s6;
	s9 =	sadd.s32 $0x1, s9;
	p2 =	slt.s32 s11, s8  }
0xc: {  	s13 =	smov.u32 @p2 s11;
	p2 =	sne.s32 s9, $0x4  }
.Ltmp1:
0xd: {  	_ = 	snop;
	(pc) =	sbr.rel @!p2 .LBB2_8-.Ltmp1, $4  }
0xe: {  	s12 =	simm.s32 @!p1 $0x3  }
0xf: {  	_ =	swait.ge @!p1 [sflag:s12], $0x8000  }
0x10: {  	p0 =	por !p0, !p0;
	[sflag:s12] =	ssyncset.done @!p1 $0x0  }
0x11: {  	s11 =	smov.u32 s10;
	s10 =	smov.u32 s13;
	[sflag:s12] =	ssyncadd.s32 @!p1 $0xFFFF8000  }
.LBB2_1:
0x12: {  	p1 =	sgt.u32 s9, $0x1  }
0x13: {  	s12 =	sshll.u32 @!p1 s9, $0x8;
	s13 =	sshrl.u32 @!p1 s10, $0x3  }
0x14: {  	s14 =	sand.u32 @!p1 $0x7, s10;
	s12 =	sxor.u32 @!p1 $0x100, s12;
	s13 =	sadd.s32 @!p1 s3, s13  }
0x15: {  	[tilespmem:s12], [sflag:$0x2] =	stream.linear.gather @!p1 [hbm4b:s13+s14], $0x100, $0x38;
	[tilespmem:$0x10200] =	vst v63  }
0x16: {  	p1 =	seq.s32 s9, $0x0  }
0x17: {  	p2 =	seq.s32 @!p1 s9, $0x3  }
0x18: {  	p1 =	por p1, p2  }
.Ltmp2:
0x19: {  	_ = 	snop;
	(pc) =	sbr.rel @p1 .LBB2_7-.Ltmp2, $1  }
0x1a: {  	_ =	sdelay $0x3  }
0x1b: {  	s12 =	simm.s32 $0x1  }
0x1c: {  	_ =	swait.ge [sflag:s5], $0x100;
	s12 =	simm.s32 @!p0 $0x0  }
0x1d: {  	[sflag:s5] =	ssyncset.done $0x0;
	s14 =	sshll.u32 s12, $0x8  }
0x1e: {  	[sflag:s5] =	ssyncadd.s32 $0xFFFFFF00;
	s13 =	sadd.s32 $0x0, s14  }
0x1f: {  	v0 =	vld.msk [tilespmem:s13+$0x0 ss:$0x1], $0xffff;
	_ =	sdelay $0x4  }
0x20: {  	v1 =	vshll.u32 v0, $0x5  }
0x21: {  	vm2 =	veq.s32 v0, $0x80000000;
	v0 =	vshll.u32 v0, $0x13;
	v1 =	vand.u32 $0x7FF80, v1  }
0x22: {  	v0 =	vand.u32 $0x180000, v0;
	v1 =	vsel vm2, $0xFFFFFF80, v1  }
0x23: {  	v0 =	vsel vm2, $0xFFF80000, v0;
	v2 =	vand.u32 $0xFFFFFC00, v1  }
0x24: {  	v1 =	vand.u32 $0x380, v1;
	v0 =	vadd.s32 v0, v2  }
0x25: {  	v0 =	vor.u32 v1, v0  }
0x26: {  	v0 =	vshrl.u32 v0, $0x3;
	_ =	sdelay $0x2  }
0x27: {  	s12 =	sshll.u32 s12, $0xF  }
0x28: {  	s12 =	sor.u32 $0x200, s12  }
0x29: {  	[tilespmem:s12], [sflag:$0x1] =	stream.indirect_vreg.gather [hbm:s2], $0x80, v0, vm0, $0x38;
	[tilespmem:$0x10200] =	vst v63  }
0x2a: {  	s15 =	sadd.s32 $0x10, s14;
	s13 =	sadd.s32 $0x400, s12  }
0x2b: {  	[tilespmem:s13], [sflag:$0x1] =	stream.indirect_vreg.gather [hbm:s2], $0x80, v0, vm1, $0x38;
	[tilespmem:$0x10200] =	vst v63  }
0x2c: {  	s16 =	simm.s32 $0x80;
	v0 =	vld.msk [tilespmem:s15+$0x0 ss:$0x1], $0xffff;
	s15 =	smov.u32 s12  }
.LBB2_3:
0x2d: {  	p1 =	sne.s32 s16, $0x3C0;
	_ =	sdelay $0x4  }
0x2e: {  	v1 =	vshll.u32 v0, $0x5  }
0x2f: {  	vm2 =	veq.s32 v0, $0x80000000;
	v0 =	vshll.u32 v0, $0x13;
	v1 =	vand.u32 $0x7FF80, v1  }
0x30: {  	v0 =	vand.u32 $0x180000, v0;
	v1 =	vsel vm2, $0xFFFFFF80, v1  }
0x31: {  	v0 =	vsel vm2, $0xFFF80000, v0;
	v2 =	vand.u32 $0xFFFFFC00, v1  }
0x32: {  	v1 =	vand.u32 $0x380, v1;
	v0 =	vadd.s32 v0, v2  }
0x33: {  	v0 =	vor.u32 v1, v0  }
0x34: {  	v0 =	vshrl.u32 v0, $0x3;
	_ =	sdelay $0x3  }
.Ltmp3:
0x35: {  	s17 =	sshra.s32 s16, $0x2;
	s15 =	sadd.s32 $0x800, s15;
	(pc) =	sbr.rel @p1 .LBB2_3-.Ltmp3, $4  }
0x36: {  	[tilespmem:s15], [sflag:$0x1] =	stream.indirect_vreg.gather [hbm:s2], $0x80, v0, vm0, $0x38;
	[tilespmem:$0x10200] =	vst v63  }
0x37: {  	s17 =	sadd.s32 s17, s14;
	s18 =	sadd.s32 $0x400, s15  }
0x38: {  	[tilespmem:s18], [sflag:$0x1] =	stream.indirect_vreg.gather [hbm:s2], $0x80, v0, vm1, $0x38;
	[tilespmem:$0x10200] =	vst v63  }
0x39: {  	s16 =	sadd.s32 $0x40, s16;
	v0 =	vld.msk [tilespmem:s17+$0x0 ss:$0x1], $0xffff  }
0x3a: {  	_ =	sdelay $0x3  }
0x3b: {  	v1 =	vshll.u32 v0, $0x5  }
0x3c: {  	vm2 =	veq.s32 v0, $0x80000000;
	v63 =	vshll.u32 v0, $0x13;
	v1 =	vand.u32 $0x7FF80, v1  }
0x3d: {  	v0 =	vand.u32 $0x180000, v63;
	v1 =	vsel vm2, $0xFFFFFF80, v1  }
0x3e: {  	v0 =	vsel vm2, $0xFFF80000, v0;
	v2 =	vand.u32 $0xFFFFFC00, v1  }
0x3f: {  	v1 =	vand.u32 $0x380, v1;
	v0 =	vadd.s32 v0, v2  }
0x40: {  	v0 =	vor.u32 v1, v0  }
0x41: {  	v0 =	vshrl.u32 v0, $0x3;
	_ =	sdelay $0x3  }
0x42: {  	s14 =	sadd.s32 $0x800, s15  }
0x43: {  	[tilespmem:s14], [sflag:$0x1] =	stream.indirect_vreg.gather [hbm:s2], $0x80, v0, vm0, $0x38;
	[tilespmem:$0x10200] =	vst v63  }
0x44: {  	s14 =	sadd.s32 $0x400, s14  }
0x45: {  	[tilespmem:s14], [sflag:$0x1] =	stream.indirect_vreg.gather [hbm:s2], $0x80, v0, vm1, $0x38;
	[tilespmem:$0x10200] =	vst v63  }
0x46: {  	s11 =	sshll.u32 s11, $0x4;
	_ =	swait.ge [sflag:s4], $0x8000  }
0x47: {  	s11 =	sadd.s32 s11, s7;
	[sflag:s4] =	ssyncset.done $0x0  }
0x48: {  	s15 =	sadd.s32 $0x0, s11;
	s14 =	simm.s32 $0x80;
	[sflag:s4] =	ssyncadd.s32 $0xFFFF8000  }
.LBB2_5:
0x49: {  	[hbm:s15] =	stream.linear.scatter [tilespmem:s12], [sflag:$0x3], $0x400, $0x38;
	[tilespmem:$0x10200] =	vst v63  }
0x4a: {  	s15 =	smov.u32 s14;
	s12 =	smov.u32 s13;
	p1 =	sne.s32 s14, $0xF80  }
.Ltmp4:
0x4b: {  	s14 =	sadd.s32 $0x80, s14;
	(pc) =	sbr.rel @p1 .LBB2_5-.Ltmp4, $2  }
0x4c: {  	_ =	sdelay $0x2  }
0x4d: {  	s13 =	sadd.s32 $0x400, s13;
	s15 =	sadd.s32 s15, s11  }
.Ltmp5:
0x4e: {  	(pc) =	sbr.rel .LBB2_7-.Ltmp5, $2  }
0x4f: {  	_ =	sdelay $0x2  }
0x50: {  	[hbm:s15] =	stream.linear.scatter [tilespmem:s12], [sflag:$0x3], $0x400, $0x38;
	[tilespmem:$0x10200] =	vst v63  }
.LBB2_8:
0x51: {  	_ =	sfence.sel $0x180000  }
0x52: {  	s2 =	simm.s32 $0x2;
	[bflag:$0x0] =	sbarrier.arrive $0xFFFF  }
0x53: {  	s30 =	simm.s32 $0x3;
	[sflag:s2] =	ssyncpa.u1 $0x1  }
0x54: {  	s31 =	simm.s32 $0x1;
	[sflag:s30] =	ssyncpa.u1 $0x1  }
0x55: {  	[sflag:s31] =	ssyncpa.u1 $0x1  }
0x56: {  	p0 =	sne.s32 s1, $0x0;
	_ =	strace $0x90000047  }
0x57: {  	s0 =	sadd.s32 @!p0 $0x100000, s0;
	[bflag:$0x2] =	sbarrier.arrive $0xFFFF  }
0x58: {  	[sflag:s0] =	ssyncadd.tile.s32 @!p0 $0x1;
	_ =	shalt  }
.Lfunc_end2:
_tile_overlayer_lowered:
.L_overlay_start_2:
0x59: {  	(tag) =	ssettag $0x2  }
0x5a: {  	s0 =	rddreg [dreg:$0x0];
	s2 =	stileid.u32  }
0x5b: {  	s1 =	rddreg [dreg:$0x1];
	p0 =	sne.s32 s2, $0x0  }
0x5c: {  	s3 =	rddreg [dreg:$0x2];
	[bflag:$0x3] =	sbarrier.arrive $0xFFFF;
	s2 =	simm.s32 @!p0 $0x1C01  }
0x5d: {  	[timem:s3], [sflag:s2] =	dma.local @!p0 [hbm:s0], s1  }
0x5e: {  	s0 =	simm.s32 @!p0 $0x1  }
0x5f: {  	_ =	swait.ge @!p0 [sflag:s0], s1  }
0x60: {  	s1 =	ssub.s32 @!p0 $0x0, s1;
	[sflag:s0] =	ssyncset.done @!p0 $0x0  }
0x61: {  	[sflag:s0] =	ssyncadd.s32 @!p0 s1  }
0x62: {  	[bflag:$0x3] =	sbarrier.arrive $0xFFFF  }
0x63: {  	_ =	shalt  }

</sc_bundles>
